<compile_context>
chip_gen: v7x
topology: tpu7x:2x2x1
jax: 0.10.2.dev20260603
libtpu: 0.0.44.dev20260713+nightly
codegen_flags: <defaults>
</compile_context>

<pallas_src>
import functools

import jax
import jax.numpy as jnp
from jax import lax
from jax.experimental import pallas as pl
from jax.experimental.pallas import tpu as pltpu
from jax.experimental.pallas import tpu_sc as plsc

B, L, T = 8, 80, 256
C, NQ, NS, D = 365, 100, 4, 256
NQSEL = 5
NROWS = B * L * NQSEL
NW = 32
BPW = NROWS // NW
REP = NQSEL * NS
CHUNKS = (26, 26, 26, 22)
CHMAX = max(CHUNKS)


def _sc_gather_rows(bank3, idx3):
    mesh = plsc.VectorSubcoreMesh(core_axis_name="c", subcore_axis_name="s")

    @functools.partial(
        pl.kernel,
        mesh=mesh,
        out_type=jax.ShapeDtypeStruct((NROWS * NS, D), jnp.float32),
        scratch_types=[
            pltpu.VMEM((1, BPW), jnp.int32),
            pltpu.VMEM((len(CHUNKS), CHMAX, NS, D), jnp.float32),
            pltpu.SemaphoreType.DMA,
            pltpu.SemaphoreType.DMA,
        ],
    )
    def k(table_hbm, idx_hbm, out_hbm, idx_v, bufs, gsem, wsem):
        wid = lax.axis_index("s") * 2 + lax.axis_index("c")
        pltpu.sync_copy(idx_hbm.at[wid], idx_v)
        base = pl.multiple_of(wid * BPW * NS, 8)
        gathers, writes = [], []
        off = 0
        for c, n in enumerate(CHUNKS):
            gathers.append(pltpu.async_copy(
                table_hbm.at[idx_v.at[0, pl.ds(off, n)]],
                bufs.at[c, pl.ds(0, n)], gsem))
            off += n
        off = 0
        for c, n in enumerate(CHUNKS):
            gathers[c].wait()
            writes.append(pltpu.async_copy(
                bufs.at[c].reshape(CHMAX * NS, D).at[pl.ds(0, n * NS)],
                out_hbm.at[pl.ds(base + off * NS, n * NS)], wsem))
            off += n
        for w in writes:
            w.wait()

    return k(bank3, idx3)


MGRP = 80


def _tc_mask_body(loc_ref, out_ref):
    y = (loc_ref[...] != 0.0).astype(jnp.bfloat16)
    rows = jax.lax.broadcasted_iota(jnp.int32, (MGRP * REP, MGRP), 0)
    cols = jax.lax.broadcasted_iota(jnp.int32, (MGRP * REP, MGRP), 1)
    rep = (rows // REP == cols).astype(jnp.bfloat16)
    out_ref[...] = jnp.dot(rep, y, preferred_element_type=jnp.float32)


def _tc_mask(loc2):
    return pl.pallas_call(
        _tc_mask_body,
        grid=(B * L // MGRP,),
        in_specs=[pl.BlockSpec((MGRP, T), lambda i: (i, 0))],
        out_specs=pl.BlockSpec((MGRP * REP, T), lambda i: (i, 0)),
        out_shape=jax.ShapeDtypeStruct((B * L * REP, T), jnp.float32),
    )(loc2)


def kernel(bank, loc_map, labels, sel_idx):
    bank3 = bank.reshape(C * NQ, NS, D)
    flat_idx = (labels.astype(jnp.int32) * NQ)[:, :, None] + sel_idx.astype(jnp.int32)
    rows = _sc_gather_rows(bank3, flat_idx.reshape(NW, 1, BPW))
    batched_queries = rows.reshape(B, L * NQSEL * NS, D)

    batched_mask = _tc_mask(loc_map.reshape(B * L, T)).reshape(B, L * REP, T)

    batched_has_vision_query = jnp.ones((B, L), dtype=jnp.int32)
    return batched_queries, batched_mask, batched_has_vision_query

# --- scband reference (transcript-rebuilt; emitter-appended) ---
"""Pipeline reference for scband-mqdet-54820962566659 (READ-ONLY COPY).

The authoritative reference and input builder live on the scoring server;
editing this copy changes nothing except your own understanding.
"""

import jax, jax.numpy as jnp
import numpy as np

B, L, T = 8, 80, 256
C, NQ, NS, D = 365, 100, 4, 256
NQSEL = 5

def setup_inputs(seed: int = 0) -> dict:
    key = jax.random.key(seed)
    k1, k2, k3, k4 = jax.random.split(key, 4)
    bank = jax.random.normal(k1, (C, NQ, NS, D), dtype=jnp.float32)
    loc_map = jax.random.uniform(k2, (B, L, T), dtype=jnp.float32)
    # sparse one-hot-ish location map (token membership per label)
    loc_map = (loc_map > 0.97).astype(jnp.float32)
    labels = jax.random.randint(k3, (B, L), 0, C)
    sel_idx = jax.random.randint(k4, (B, L, NQSEL), 0, NQ)
    return {"bank": bank, "loc_map": loc_map, "labels": labels, "sel_idx": sel_idx}

def reference(bank, loc_map, labels, sel_idx):
    # Per image, per label: candidate_queries = query_bank[label] -> [NQ, NS, D]
    cand = bank[labels]  # gather: [B, L, NQ, NS, D]
    # idx = sampled query indices (deterministic tensorized version of np.random.choice)
    idx = jnp.broadcast_to(sel_idx[..., None, None], (B, L, NQSEL, NS, D))
    q = jnp.take_along_axis(cand, idx, axis=2)  # [B, L, NQSEL, NS, D]
    # queries = queries.flatten(0,1); torch.cat over labels; pad_sequence (equal lengths here)
    batched_queries = q.reshape(B, L * NQSEL * NS, D)
    # queries_attn_mask = loc_map[None].expand(num_queries*num_scale, -1), cat, pad
    mask = jnp.broadcast_to(loc_map[:, :, None, :], (B, L, NQSEL * NS, T))
    mask = mask.reshape(B, L * NQSEL * NS, T)
    # batched_queries_attn_mask[mask != 0] = 1
    batched_mask = (mask != 0).astype(jnp.float32)
    # every label got num_queries > 0 vision queries
    batched_has_vision_query = jnp.ones((B, L), dtype=jnp.int32)
    return batched_queries, batched_mask, batched_has_vision_query

if __name__ == "__main__":
    import jax
    _d = setup_inputs()
    print(jax.jit(kernel)(*tuple(_d.values())))

</pallas_src>

<mosaic_0001>
#map = affine_map<(d0, d1) -> (0, 0, 0)>
#map1 = affine_map<(d0, d1) -> (0, 0)>
module attributes {stable_mosaic.version = 14 : i64} {
  func.func @k(%arg0: i32, %arg1: i32, %arg2: memref<36500x4x256xf32, #tpu.memory_space<hbm>>, %arg3: memref<32x1x100xi32, #tpu.memory_space<hbm>>, %arg4: memref<12800x256xf32, #tpu.memory_space<hbm>>, %arg5: memref<1x100xi32, #tpu.memory_space<vmem>>, %arg6: memref<4x26x4x256xf32, #tpu.memory_space<vmem>>, %arg7: memref<!tpu.dma_semaphore, #tpu.memory_space<semaphore_mem>>, %arg8: memref<!tpu.dma_semaphore, #tpu.memory_space<semaphore_mem>>) attributes {dimension_semantics = [#tpu.dimension_semantics<core_parallel>, #tpu.dimension_semantics<subcore_parallel>], iteration_bounds = array<i64: 2, 16>, scalar_prefetch = 0 : i64, scratch_operands = 4 : i64, tpu.core_type = #tpu.core_type<sc_vector_subcore>, window_params = [{transform_indices = #map}, {transform_indices = #map}, {transform_indices = #map1}]} {
    %mul3A = arith.constant 2 : i32
    %mul3A_0 = arith.muli %arg1, %mul3A : i32
    %add3A = arith.addi %mul3A_0, %arg0 : i32
    "tpu.region"() ({
      %run_scoped3A = tpu.sem_alloc : memref<!tpu.dma_semaphore, #tpu.memory_space<semaphore_mem>>
      %dma_start3A_307 = arith.constant 0 : i32
      %dma_start3A_308 = arith.constant 0 : i32
      %dma_start3A_309 = tpu.memref_slice %arg3[%add3A, %dma_start3A_307, %dma_start3A_308] : memref<32x1x100xi32, #tpu.memory_space<hbm>> -> memref<1x1x100xi32, #tpu.memory_space<hbm>>
      %dma_start3A_310 = tpu.memref_squeeze %dma_start3A_309 : memref<1x1x100xi32, #tpu.memory_space<hbm>> -> memref<1x100xi32, #tpu.memory_space<hbm>>
      %dma_start3A_311 = arith.constant 0 : i32
      %dma_start3A_312 = arith.constant 0 : i32
      %dma_start3A_313 = tpu.memref_slice %arg3[%add3A, %dma_start3A_311, %dma_start3A_312] : memref<32x1x100xi32, #tpu.memory_space<hbm>> -> memref<1x1x100xi32, #tpu.memory_space<hbm>>
      %dma_start3A_314 = tpu.memref_squeeze %dma_start3A_313 : memref<1x1x100xi32, #tpu.memory_space<hbm>> -> memref<1x100xi32, #tpu.memory_space<hbm>>
      tpu.enqueue_dma source(%dma_start3A_314 : memref<1x100xi32, #tpu.memory_space<hbm>>) target(%arg5 : memref<1x100xi32, #tpu.memory_space<vmem>>) target_semaphore(%run_scoped3A : memref<!tpu.dma_semaphore, #tpu.memory_space<semaphore_mem>>)
      %dma_wait3A_315 = arith.constant 0 : i32
      %dma_wait3A_316 = arith.constant 0 : i32
      %dma_wait3A_317 = tpu.memref_slice %arg3[%add3A, %dma_wait3A_315, %dma_wait3A_316] : memref<32x1x100xi32, #tpu.memory_space<hbm>> -> memref<1x1x100xi32, #tpu.memory_space<hbm>>
      %dma_wait3A_318 = tpu.memref_squeeze %dma_wait3A_317 : memref<1x1x100xi32, #tpu.memory_space<hbm>> -> memref<1x100xi32, #tpu.memory_space<hbm>>
      %dma_wait3A_319 = arith.constant 0 : i32
      %dma_wait3A_320 = arith.constant 0 : i32
      %dma_wait3A_321 = tpu.memref_slice %arg3[%add3A, %dma_wait3A_319, %dma_wait3A_320] : memref<32x1x100xi32, #tpu.memory_space<hbm>> -> memref<1x1x100xi32, #tpu.memory_space<hbm>>
      %dma_wait3A_322 = tpu.memref_squeeze %dma_wait3A_321 : memref<1x1x100xi32, #tpu.memory_space<hbm>> -> memref<1x100xi32, #tpu.memory_space<hbm>>
      tpu.wait_dma2 semaphore(%run_scoped3A : memref<!tpu.dma_semaphore, #tpu.memory_space<semaphore_mem>>) src(%dma_wait3A_322 : memref<1x100xi32, #tpu.memory_space<hbm>>) dst(%arg5 : memref<1x100xi32, #tpu.memory_space<vmem>>)
      tpu.yield
    }) : () -> ()
    %mul3A_1 = arith.constant 100 : i32
    %mul3A_2 = arith.muli %add3A, %mul3A_1 : i32
    %mul3A_3 = arith.constant 4 : i32
    %mul3A_4 = arith.muli %mul3A_2, %mul3A_3 : i32
    %multiple_of3A = tpu.assume_multiple %mul3A_4, 8 : i32
    %dma_start3A = arith.constant 0 : i32
    %dma_start3A_5 = arith.constant 0 : i32
    %dma_start3A_6 = arith.constant 0 : i32
    %dma_start3A_7 = arith.constant 0 : i32
    %dma_start3A_8 = arith.constant 0 : i32
    %dma_start3A_9 = tpu.memref_slice %arg6[%dma_start3A_5, %dma_start3A_6, %dma_start3A_7, %dma_start3A_8] : memref<4x26x4x256xf32, #tpu.memory_space<vmem>> -> memref<1x26x4x256xf32, #tpu.memory_space<vmem>>
    %dma_start3A_10 = tpu.memref_squeeze %dma_start3A_9 : memref<1x26x4x256xf32, #tpu.memory_space<vmem>> -> memref<26x4x256xf32, #tpu.memory_space<vmem>>
    %dma_start3A_11 = arith.constant 0 : i32
    %dma_start3A_12 = tpu.memref_slice %arg5[%dma_start3A, %dma_start3A_11] : memref<1x100xi32, #tpu.memory_space<vmem>> -> memref<1x26xi32, #tpu.memory_space<vmem>>
    %dma_start3A_13 = tpu.memref_squeeze %dma_start3A_12 : memref<1x26xi32, #tpu.memory_space<vmem>> -> memref<26xi32, #tpu.memory_space<vmem>>
    %dma_start3A_14 = arith.constant 0 : i32
    %dma_start3A_15 = arith.constant 0 : i32
    %dma_start3A_16 = arith.constant 0 : i32
    %dma_start3A_17 = tpu.memref_slice %arg2[%dma_start3A_14, %dma_start3A_15, %dma_start3A_16] : memref<36500x4x256xf32, #tpu.memory_space<hbm>> -> memref<36500x4x256xf32, #tpu.memory_space<hbm>>
    tpu.enqueue_indirect_dma source(%dma_start3A_17 : memref<36500x4x256xf32, #tpu.memory_space<hbm>>) target(%dma_start3A_10 : memref<26x4x256xf32, #tpu.memory_space<vmem>>) offsets(%dma_start3A_13 : memref<26xi32, #tpu.memory_space<vmem>>) semaphore(%arg7 : memref<!tpu.dma_semaphore, #tpu.memory_space<semaphore_mem>>)
    %dma_start3A_18 = arith.constant 0 : i32
    %dma_start3A_19 = arith.constant 1 : i32
    %dma_start3A_20 = arith.constant 0 : i32
    %dma_start3A_21 = arith.constant 0 : i32
    %dma_start3A_22 = arith.constant 0 : i32
    %dma_start3A_23 = tpu.memref_slice %arg6[%dma_start3A_19, %dma_start3A_20, %dma_start3A_21, %dma_start3A_22] : memref<4x26x4x256xf32, #tpu.memory_space<vmem>> -> memref<1x26x4x256xf32, #tpu.memory_space<vmem>>
    %dma_start3A_24 = tpu.memref_squeeze %dma_start3A_23 : memref<1x26x4x256xf32, #tpu.memory_space<vmem>> -> memref<26x4x256xf32, #tpu.memory_space<vmem>>
    %dma_start3A_25 = arith.constant 26 : i32
    %dma_start3A_26 = tpu.memref_slice %arg5[%dma_start3A_18, %dma_start3A_25] : memref<1x100xi32, #tpu.memory_space<vmem>> -> memref<1x26xi32, #tpu.memory_space<vmem>>
    %dma_start3A_27 = tpu.memref_squeeze %dma_start3A_26 : memref<1x26xi32, #tpu.memory_space<vmem>> -> memref<26xi32, #tpu.memory_space<vmem>>
    %dma_start3A_28 = arith.constant 0 : i32
    %dma_start3A_29 = arith.constant 0 : i32
    %dma_start3A_30 = arith.constant 0 : i32
    %dma_start3A_31 = tpu.memref_slice %arg2[%dma_start3A_28, %dma_start3A_29, %dma_start3A_30] : memref<36500x4x256xf32, #tpu.memory_space<hbm>> -> memref<36500x4x256xf32, #tpu.memory_space<hbm>>
    tpu.enqueue_indirect_dma source(%dma_start3A_31 : memref<36500x4x256xf32, #tpu.memory_space<hbm>>) target(%dma_start3A_24 : memref<26x4x256xf32, #tpu.memory_space<vmem>>) offsets(%dma_start3A_27 : memref<26xi32, #tpu.memory_space<vmem>>) semaphore(%arg7 : memref<!tpu.dma_semaphore, #tpu.memory_space<semaphore_mem>>)
    %dma_start3A_32 = arith.constant 0 : i32
    %dma_start3A_33 = arith.constant 2 : i32
    %dma_start3A_34 = arith.constant 0 : i32
    %dma_start3A_35 = arith.constant 0 : i32
    %dma_start3A_36 = arith.constant 0 : i32
    %dma_start3A_37 = tpu.memref_slice %arg6[%dma_start3A_33, %dma_start3A_34, %dma_start3A_35, %dma_start3A_36] : memref<4x26x4x256xf32, #tpu.memory_space<vmem>> -> memref<1x26x4x256xf32, #tpu.memory_space<vmem>>
    %dma_start3A_38 = tpu.memref_squeeze %dma_start3A_37 : memref<1x26x4x256xf32, #tpu.memory_space<vmem>> -> memref<26x4x256xf32, #tpu.memory_space<vmem>>
    %dma_start3A_39 = arith.constant 52 : i32
    %dma_start3A_40 = tpu.memref_slice %arg5[%dma_start3A_32, %dma_start3A_39] : memref<1x100xi32, #tpu.memory_space<vmem>> -> memref<1x26xi32, #tpu.memory_space<vmem>>
    %dma_start3A_41 = tpu.memref_squeeze %dma_start3A_40 : memref<1x26xi32, #tpu.memory_space<vmem>> -> memref<26xi32, #tpu.memory_space<vmem>>
    %dma_start3A_42 = arith.constant 0 : i32
    %dma_start3A_43 = arith.constant 0 : i32
    %dma_start3A_44 = arith.constant 0 : i32
    %dma_start3A_45 = tpu.memref_slice %arg2[%dma_start3A_42, %dma_start3A_43, %dma_start3A_44] : memref<36500x4x256xf32, #tpu.memory_space<hbm>> -> memref<36500x4x256xf32, #tpu.memory_space<hbm>>
    tpu.enqueue_indirect_dma source(%dma_start3A_45 : memref<36500x4x256xf32, #tpu.memory_space<hbm>>) target(%dma_start3A_38 : memref<26x4x256xf32, #tpu.memory_space<vmem>>) offsets(%dma_start3A_41 : memref<26xi32, #tpu.memory_space<vmem>>) semaphore(%arg7 : memref<!tpu.dma_semaphore, #tpu.memory_space<semaphore_mem>>)
    %dma_start3A_46 = arith.constant 0 : i32
    %dma_start3A_47 = arith.constant 3 : i32
    %dma_start3A_48 = arith.constant 0 : i32
    %dma_start3A_49 = arith.constant 0 : i32
    %dma_start3A_50 = arith.constant 0 : i32
    %dma_start3A_51 = tpu.memref_slice %arg6[%dma_start3A_47, %dma_start3A_48, %dma_start3A_49, %dma_start3A_50] : memref<4x26x4x256xf32, #tpu.memory_space<vmem>> -> memref<1x22x4x256xf32, #tpu.memory_space<vmem>>
    %dma_start3A_52 = tpu.memref_squeeze %dma_start3A_51 : memref<1x22x4x256xf32, #tpu.memory_space<vmem>> -> memref<22x4x256xf32, #tpu.memory_space<vmem>>
    %dma_start3A_53 = arith.constant 78 : i32
    %dma_start3A_54 = tpu.memref_slice %arg5[%dma_start3A_46, %dma_start3A_53] : memref<1x100xi32, #tpu.memory_space<vmem>> -> memref<1x22xi32, #tpu.memory_space<vmem>>
    %dma_start3A_55 = tpu.memref_squeeze %dma_start3A_54 : memref<1x22xi32, #tpu.memory_space<vmem>> -> memref<22xi32, #tpu.memory_space<vmem>>
    %dma_start3A_56 = arith.constant 0 : i32
    %dma_start3A_57 = arith.constant 0 : i32
    %dma_start3A_58 = arith.constant 0 : i32
    %dma_start3A_59 = tpu.memref_slice %arg2[%dma_start3A_56, %dma_start3A_57, %dma_start3A_58] : memref<36500x4x256xf32, #tpu.memory_space<hbm>> -> memref<36500x4x256xf32, #tpu.memory_space<hbm>>
    tpu.enqueue_indirect_dma source(%dma_start3A_59 : memref<36500x4x256xf32, #tpu.memory_space<hbm>>) target(%dma_start3A_52 : memref<22x4x256xf32, #tpu.memory_space<vmem>>) offsets(%dma_start3A_55 : memref<22xi32, #tpu.memory_space<vmem>>) semaphore(%arg7 : memref<!tpu.dma_semaphore, #tpu.memory_space<semaphore_mem>>)
    %dma_wait3A = arith.constant 0 : i32
    %dma_wait3A_60 = arith.constant 0 : i32
    %dma_wait3A_61 = arith.constant 0 : i32
    %dma_wait3A_62 = arith.constant 0 : i32
    %dma_wait3A_63 = arith.constant 0 : i32
    %dma_wait3A_64 = tpu.memref_slice %arg6[%dma_wait3A_60, %dma_wait3A_61, %dma_wait3A_62, %dma_wait3A_63] : memref<4x26x4x256xf32, #tpu.memory_space<vmem>> -> memref<1x26x4x256xf32, #tpu.memory_space<vmem>>
    %dma_wait3A_65 = tpu.memref_squeeze %dma_wait3A_64 : memref<1x26x4x256xf32, #tpu.memory_space<vmem>> -> memref<26x4x256xf32, #tpu.memory_space<vmem>>
    %dma_wait3A_66 = arith.constant 0 : i32
    %dma_wait3A_67 = tpu.memref_slice %arg5[%dma_wait3A, %dma_wait3A_66] : memref<1x100xi32, #tpu.memory_space<vmem>> -> memref<1x26xi32, #tpu.memory_space<vmem>>
    %dma_wait3A_68 = tpu.memref_squeeze %dma_wait3A_67 : memref<1x26xi32, #tpu.memory_space<vmem>> -> memref<26xi32, #tpu.memory_space<vmem>>
    %dma_wait3A_69 = arith.constant 0 : i32
    %dma_wait3A_70 = arith.constant 0 : i32
    %dma_wait3A_71 = arith.constant 0 : i32
    %dma_wait3A_72 = tpu.memref_slice %arg2[%dma_wait3A_69, %dma_wait3A_70, %dma_wait3A_71] : memref<36500x4x256xf32, #tpu.memory_space<hbm>> -> memref<36500x4x256xf32, #tpu.memory_space<hbm>>
    tpu.wait_indirect_dma semaphore(%arg7 : memref<!tpu.dma_semaphore, #tpu.memory_space<semaphore_mem>>) src(%dma_wait3A_72 : memref<36500x4x256xf32, #tpu.memory_space<hbm>>) dst(%dma_wait3A_65 : memref<26x4x256xf32, #tpu.memory_space<vmem>>)
    %add3A_73 = arith.constant 0 : i32
    %add3A_74 = arith.addi %multiple_of3A, %add3A_73 : i32
    %dma_start3A_75 = arith.constant 0 : i32
    %dma_start3A_76 = arith.constant 0 : i32
    %dma_start3A_77 = arith.constant 0 : i32
    %dma_start3A_78 = arith.constant 0 : i32
    %dma_start3A_79 = tpu.memref_slice %arg6[%dma_start3A_75, %dma_start3A_76, %dma_start3A_77, %dma_start3A_78] : memref<4x26x4x256xf32, #tpu.memory_space<vmem>> -> memref<1x26x4x256xf32, #tpu.memory_space<vmem>>
    %dma_start3A_80 = tpu.memref_squeeze %dma_start3A_79 : memref<1x26x4x256xf32, #tpu.memory_space<vmem>> -> memref<26x4x256xf32, #tpu.memory_space<vmem>>
    %dma_start3A_81 = tpu.memref_reshape %dma_start3A_80 : memref<26x4x256xf32, #tpu.memory_space<vmem>> -> memref<104x256xf32, #tpu.memory_space<vmem>>
    %dma_start3A_82 = arith.constant 0 : i32
    %dma_start3A_83 = arith.constant 0 : i32
    %dma_start3A_84 = tpu.memref_slice %dma_start3A_81[%dma_start3A_82, %dma_start3A_83] : memref<104x256xf32, #tpu.memory_space<vmem>> -> memref<104x256xf32, #tpu.memory_space<vmem>>
    %dma_start3A_85 = arith.constant 0 : i32
    %dma_start3A_86 = tpu.memref_slice %arg4[%add3A_74, %dma_start3A_85] : memref<12800x256xf32, #tpu.memory_space<hbm>> -> memref<104x256xf32, #tpu.memory_space<hbm>>
    %dma_start3A_87 = arith.constant 0 : i32
    %dma_start3A_88 = tpu.memref_slice %arg4[%add3A_74, %dma_start3A_87] : memref<12800x256xf32, #tpu.memory_space<hbm>> -> memref<104x256xf32, #tpu.memory_space<hbm>>
    %dma_start3A_89 = arith.constant 0 : i32
    %dma_start3A_90 = arith.constant 0 : i32
    %dma_start3A_91 = arith.constant 0 : i32
    %dma_start3A_92 = tpu.memref_slice %arg6[%dma_start3A_75, %dma_start3A_89, %dma_start3A_90, %dma_start3A_91] : memref<4x26x4x256xf32, #tpu.memory_space<vmem>> -> memref<1x26x4x256xf32, #tpu.memory_space<vmem>>
    %dma_start3A_93 = tpu.memref_squeeze %dma_start3A_92 : memref<1x26x4x256xf32, #tpu.memory_space<vmem>> -> memref<26x4x256xf32, #tpu.memory_space<vmem>>
    %dma_start3A_94 = tpu.memref_reshape %dma_start3A_93 : memref<26x4x256xf32, #tpu.memory_space<vmem>> -> memref<104x256xf32, #tpu.memory_space<vmem>>
    %dma_start3A_95 = arith.constant 0 : i32
    %dma_start3A_96 = arith.constant 0 : i32
    %dma_start3A_97 = tpu.memref_slice %dma_start3A_94[%dma_start3A_95, %dma_start3A_96] : memref<104x256xf32, #tpu.memory_space<vmem>> -> memref<104x256xf32, #tpu.memory_space<vmem>>
    tpu.enqueue_dma source(%dma_start3A_97 : memref<104x256xf32, #tpu.memory_space<vmem>>) target(%dma_start3A_88 : memref<104x256xf32, #tpu.memory_space<hbm>>) target_semaphore(%arg8 : memref<!tpu.dma_semaphore, #tpu.memory_space<semaphore_mem>>)
    %dma_wait3A_98 = arith.constant 0 : i32
    %dma_wait3A_99 = arith.constant 1 : i32
    %dma_wait3A_100 = arith.constant 0 : i32
    %dma_wait3A_101 = arith.constant 0 : i32
    %dma_wait3A_102 = arith.constant 0 : i32
    %dma_wait3A_103 = tpu.memref_slice %arg6[%dma_wait3A_99, %dma_wait3A_100, %dma_wait3A_101, %dma_wait3A_102] : memref<4x26x4x256xf32, #tpu.memory_space<vmem>> -> memref<1x26x4x256xf32, #tpu.memory_space<vmem>>
    %dma_wait3A_104 = tpu.memref_squeeze %dma_wait3A_103 : memref<1x26x4x256xf32, #tpu.memory_space<vmem>> -> memref<26x4x256xf32, #tpu.memory_space<vmem>>
    %dma_wait3A_105 = arith.constant 26 : i32
    %dma_wait3A_106 = tpu.memref_slice %arg5[%dma_wait3A_98, %dma_wait3A_105] : memref<1x100xi32, #tpu.memory_space<vmem>> -> memref<1x26xi32, #tpu.memory_space<vmem>>
    %dma_wait3A_107 = tpu.memref_squeeze %dma_wait3A_106 : memref<1x26xi32, #tpu.memory_space<vmem>> -> memref<26xi32, #tpu.memory_space<vmem>>
    %dma_wait3A_108 = arith.constant 0 : i32
    %dma_wait3A_109 = arith.constant 0 : i32
    %dma_wait3A_110 = arith.constant 0 : i32
    %dma_wait3A_111 = tpu.memref_slice %arg2[%dma_wait3A_108, %dma_wait3A_109, %dma_wait3A_110] : memref<36500x4x256xf32, #tpu.memory_space<hbm>> -> memref<36500x4x256xf32, #tpu.memory_space<hbm>>
    tpu.wait_indirect_dma semaphore(%arg7 : memref<!tpu.dma_semaphore, #tpu.memory_space<semaphore_mem>>) src(%dma_wait3A_111 : memref<36500x4x256xf32, #tpu.memory_space<hbm>>) dst(%dma_wait3A_104 : memref<26x4x256xf32, #tpu.memory_space<vmem>>)
    %add3A_112 = arith.constant 104 : i32
    %add3A_113 = arith.addi %multiple_of3A, %add3A_112 : i32
    %dma_start3A_114 = arith.constant 1 : i32
    %dma_start3A_115 = arith.constant 0 : i32
    %dma_start3A_116 = arith.constant 0 : i32
    %dma_start3A_117 = arith.constant 0 : i32
    %dma_start3A_118 = tpu.memref_slice %arg6[%dma_start3A_114, %dma_start3A_115, %dma_start3A_116, %dma_start3A_117] : memref<4x26x4x256xf32, #tpu.memory_space<vmem>> -> memref<1x26x4x256xf32, #tpu.memory_space<vmem>>
    %dma_start3A_119 = tpu.memref_squeeze %dma_start3A_118 : memref<1x26x4x256xf32, #tpu.memory_space<vmem>> -> memref<26x4x256xf32, #tpu.memory_space<vmem>>
    %dma_start3A_120 = tpu.memref_reshape %dma_start3A_119 : memref<26x4x256xf32, #tpu.memory_space<vmem>> -> memref<104x256xf32, #tpu.memory_space<vmem>>
    %dma_start3A_121 = arith.constant 0 : i32
    %dma_start3A_122 = arith.constant 0 : i32
    %dma_start3A_123 = tpu.memref_slice %dma_start3A_120[%dma_start3A_121, %dma_start3A_122] : memref<104x256xf32, #tpu.memory_space<vmem>> -> memref<104x256xf32, #tpu.memory_space<vmem>>
    %dma_start3A_124 = arith.constant 0 : i32
    %dma_start3A_125 = tpu.memref_slice %arg4[%add3A_113, %dma_start3A_124] : memref<12800x256xf32, #tpu.memory_space<hbm>> -> memref<104x256xf32, #tpu.memory_space<hbm>>
    %dma_start3A_126 = arith.constant 0 : i32
    %dma_start3A_127 = tpu.memref_slice %arg4[%add3A_113, %dma_start3A_126] : memref<12800x256xf32, #tpu.memory_space<hbm>> -> memref<104x256xf32, #tpu.memory_space<hbm>>
    %dma_start3A_128 = arith.constant 0 : i32
    %dma_start3A_129 = arith.constant 0 : i32
    %dma_start3A_130 = arith.constant 0 : i32
    %dma_start3A_131 = tpu.memref_slice %arg6[%dma_start3A_114, %dma_start3A_128, %dma_start3A_129, %dma_start3A_130] : memref<4x26x4x256xf32, #tpu.memory_space<vmem>> -> memref<1x26x4x256xf32, #tpu.memory_space<vmem>>
    %dma_start3A_132 = tpu.memref_squeeze %dma_start3A_131 : memref<1x26x4x256xf32, #tpu.memory_space<vmem>> -> memref<26x4x256xf32, #tpu.memory_space<vmem>>
    %dma_start3A_133 = tpu.memref_reshape %dma_start3A_132 : memref<26x4x256xf32, #tpu.memory_space<vmem>> -> memref<104x256xf32, #tpu.memory_space<vmem>>
    %dma_start3A_134 = arith.constant 0 : i32
    %dma_start3A_135 = arith.constant 0 : i32
    %dma_start3A_136 = tpu.memref_slice %dma_start3A_133[%dma_start3A_134, %dma_start3A_135] : memref<104x256xf32, #tpu.memory_space<vmem>> -> memref<104x256xf32, #tpu.memory_space<vmem>>
    tpu.enqueue_dma source(%dma_start3A_136 : memref<104x256xf32, #tpu.memory_space<vmem>>) target(%dma_start3A_127 : memref<104x256xf32, #tpu.memory_space<hbm>>) target_semaphore(%arg8 : memref<!tpu.dma_semaphore, #tpu.memory_space<semaphore_mem>>)
    %dma_wait3A_137 = arith.constant 0 : i32
    %dma_wait3A_138 = arith.constant 2 : i32
    %dma_wait3A_139 = arith.constant 0 : i32
    %dma_wait3A_140 = arith.constant 0 : i32
    %dma_wait3A_141 = arith.constant 0 : i32
    %dma_wait3A_142 = tpu.memref_slice %arg6[%dma_wait3A_138, %dma_wait3A_139, %dma_wait3A_140, %dma_wait3A_141] : memref<4x26x4x256xf32, #tpu.memory_space<vmem>> -> memref<1x26x4x256xf32, #tpu.memory_space<vmem>>
    %dma_wait3A_143 = tpu.memref_squeeze %dma_wait3A_142 : memref<1x26x4x256xf32, #tpu.memory_space<vmem>> -> memref<26x4x256xf32, #tpu.memory_space<vmem>>
    %dma_wait3A_144 = arith.constant 52 : i32
    %dma_wait3A_145 = tpu.memref_slice %arg5[%dma_wait3A_137, %dma_wait3A_144] : memref<1x100xi32, #tpu.memory_space<vmem>> -> memref<1x26xi32, #tpu.memory_space<vmem>>
    %dma_wait3A_146 = tpu.memref_squeeze %dma_wait3A_145 : memref<1x26xi32, #tpu.memory_space<vmem>> -> memref<26xi32, #tpu.memory_space<vmem>>
    %dma_wait3A_147 = arith.constant 0 : i32
    %dma_wait3A_148 = arith.constant 0 : i32
    %dma_wait3A_149 = arith.constant 0 : i32
    %dma_wait3A_150 = tpu.memref_slice %arg2[%dma_wait3A_147, %dma_wait3A_148, %dma_wait3A_149] : memref<36500x4x256xf32, #tpu.memory_space<hbm>> -> memref<36500x4x256xf32, #tpu.memory_space<hbm>>
    tpu.wait_indirect_dma semaphore(%arg7 : memref<!tpu.dma_semaphore, #tpu.memory_space<semaphore_mem>>) src(%dma_wait3A_150 : memref<36500x4x256xf32, #tpu.memory_space<hbm>>) dst(%dma_wait3A_143 : memref<26x4x256xf32, #tpu.memory_space<vmem>>)
    %add3A_151 = arith.constant 208 : i32
    %add3A_152 = arith.addi %multiple_of3A, %add3A_151 : i32
    %dma_start3A_153 = arith.constant 2 : i32
    %dma_start3A_154 = arith.constant 0 : i32
    %dma_start3A_155 = arith.constant 0 : i32
    %dma_start3A_156 = arith.constant 0 : i32
    %dma_start3A_157 = tpu.memref_slice %arg6[%dma_start3A_153, %dma_start3A_154, %dma_start3A_155, %dma_start3A_156] : memref<4x26x4x256xf32, #tpu.memory_space<vmem>> -> memref<1x26x4x256xf32, #tpu.memory_space<vmem>>
    %dma_start3A_158 = tpu.memref_squeeze %dma_start3A_157 : memref<1x26x4x256xf32, #tpu.memory_space<vmem>> -> memref<26x4x256xf32, #tpu.memory_space<vmem>>
    %dma_start3A_159 = tpu.memref_reshape %dma_start3A_158 : memref<26x4x256xf32, #tpu.memory_space<vmem>> -> memref<104x256xf32, #tpu.memory_space<vmem>>
    %dma_start3A_160 = arith.constant 0 : i32
    %dma_start3A_161 = arith.constant 0 : i32
    %dma_start3A_162 = tpu.memref_slice %dma_start3A_159[%dma_start3A_160, %dma_start3A_161] : memref<104x256xf32, #tpu.memory_space<vmem>> -> memref<104x256xf32, #tpu.memory_space<vmem>>
    %dma_start3A_163 = arith.constant 0 : i32
    %dma_start3A_164 = tpu.memref_slice %arg4[%add3A_152, %dma_start3A_163] : memref<12800x256xf32, #tpu.memory_space<hbm>> -> memref<104x256xf32, #tpu.memory_space<hbm>>
    %dma_start3A_165 = arith.constant 0 : i32
    %dma_start3A_166 = tpu.memref_slice %arg4[%add3A_152, %dma_start3A_165] : memref<12800x256xf32, #tpu.memory_space<hbm>> -> memref<104x256xf32, #tpu.memory_space<hbm>>
    %dma_start3A_167 = arith.constant 0 : i32
    %dma_start3A_168 = arith.constant 0 : i32
    %dma_start3A_169 = arith.constant 0 : i32
    %dma_start3A_170 = tpu.memref_slice %arg6[%dma_start3A_153, %dma_start3A_167, %dma_start3A_168, %dma_start3A_169] : memref<4x26x4x256xf32, #tpu.memory_space<vmem>> -> memref<1x26x4x256xf32, #tpu.memory_space<vmem>>
    %dma_start3A_171 = tpu.memref_squeeze %dma_start3A_170 : memref<1x26x4x256xf32, #tpu.memory_space<vmem>> -> memref<26x4x256xf32, #tpu.memory_space<vmem>>
    %dma_start3A_172 = tpu.memref_reshape %dma_start3A_171 : memref<26x4x256xf32, #tpu.memory_space<vmem>> -> memref<104x256xf32, #tpu.memory_space<vmem>>
    %dma_start3A_173 = arith.constant 0 : i32
    %dma_start3A_174 = arith.constant 0 : i32
    %dma_start3A_175 = tpu.memref_slice %dma_start3A_172[%dma_start3A_173, %dma_start3A_174] : memref<104x256xf32, #tpu.memory_space<vmem>> -> memref<104x256xf32, #tpu.memory_space<vmem>>
    tpu.enqueue_dma source(%dma_start3A_175 : memref<104x256xf32, #tpu.memory_space<vmem>>) target(%dma_start3A_166 : memref<104x256xf32, #tpu.memory_space<hbm>>) target_semaphore(%arg8 : memref<!tpu.dma_semaphore, #tpu.memory_space<semaphore_mem>>)
    %dma_wait3A_176 = arith.constant 0 : i32
    %dma_wait3A_177 = arith.constant 3 : i32
    %dma_wait3A_178 = arith.constant 0 : i32
    %dma_wait3A_179 = arith.constant 0 : i32
    %dma_wait3A_180 = arith.constant 0 : i32
    %dma_wait3A_181 = tpu.memref_slice %arg6[%dma_wait3A_177, %dma_wait3A_178, %dma_wait3A_179, %dma_wait3A_180] : memref<4x26x4x256xf32, #tpu.memory_space<vmem>> -> memref<1x22x4x256xf32, #tpu.memory_space<vmem>>
    %dma_wait3A_182 = tpu.memref_squeeze %dma_wait3A_181 : memref<1x22x4x256xf32, #tpu.memory_space<vmem>> -> memref<22x4x256xf32, #tpu.memory_space<vmem>>
    %dma_wait3A_183 = arith.constant 78 : i32
    %dma_wait3A_184 = tpu.memref_slice %arg5[%dma_wait3A_176, %dma_wait3A_183] : memref<1x100xi32, #tpu.memory_space<vmem>> -> memref<1x22xi32, #tpu.memory_space<vmem>>
    %dma_wait3A_185 = tpu.memref_squeeze %dma_wait3A_184 : memref<1x22xi32, #tpu.memory_space<vmem>> -> memref<22xi32, #tpu.memory_space<vmem>>
    %dma_wait3A_186 = arith.constant 0 : i32
    %dma_wait3A_187 = arith.constant 0 : i32
    %dma_wait3A_188 = arith.constant 0 : i32
    %dma_wait3A_189 = tpu.memref_slice %arg2[%dma_wait3A_186, %dma_wait3A_187, %dma_wait3A_188] : memref<36500x4x256xf32, #tpu.memory_space<hbm>> -> memref<36500x4x256xf32, #tpu.memory_space<hbm>>
    tpu.wait_indirect_dma semaphore(%arg7 : memref<!tpu.dma_semaphore, #tpu.memory_space<semaphore_mem>>) src(%dma_wait3A_189 : memref<36500x4x256xf32, #tpu.memory_space<hbm>>) dst(%dma_wait3A_182 : memref<22x4x256xf32, #tpu.memory_space<vmem>>)
    %add3A_190 = arith.constant 312 : i32
    %add3A_191 = arith.addi %multiple_of3A, %add3A_190 : i32
    %dma_start3A_192 = arith.constant 3 : i32
    %dma_start3A_193 = arith.constant 0 : i32
    %dma_start3A_194 = arith.constant 0 : i32
    %dma_start3A_195 = arith.constant 0 : i32
    %dma_start3A_196 = tpu.memref_slice %arg6[%dma_start3A_192, %dma_start3A_193, %dma_start3A_194, %dma_start3A_195] : memref<4x26x4x256xf32, #tpu.memory_space<vmem>> -> memref<1x26x4x256xf32, #tpu.memory_space<vmem>>
    %dma_start3A_197 = tpu.memref_squeeze %dma_start3A_196 : memref<1x26x4x256xf32, #tpu.memory_space<vmem>> -> memref<26x4x256xf32, #tpu.memory_space<vmem>>
    %dma_start3A_198 = tpu.memref_reshape %dma_start3A_197 : memref<26x4x256xf32, #tpu.memory_space<vmem>> -> memref<104x256xf32, #tpu.memory_space<vmem>>
    %dma_start3A_199 = arith.constant 0 : i32
    %dma_start3A_200 = arith.constant 0 : i32
    %dma_start3A_201 = tpu.memref_slice %dma_start3A_198[%dma_start3A_199, %dma_start3A_200] : memref<104x256xf32, #tpu.memory_space<vmem>> -> memref<88x256xf32, #tpu.memory_space<vmem>>
    %dma_start3A_202 = arith.constant 0 : i32
    %dma_start3A_203 = tpu.memref_slice %arg4[%add3A_191, %dma_start3A_202] : memref<12800x256xf32, #tpu.memory_space<hbm>> -> memref<88x256xf32, #tpu.memory_space<hbm>>
    %dma_start3A_204 = arith.constant 0 : i32
    %dma_start3A_205 = tpu.memref_slice %arg4[%add3A_191, %dma_start3A_204] : memref<12800x256xf32, #tpu.memory_space<hbm>> -> memref<88x256xf32, #tpu.memory_space<hbm>>
    %dma_start3A_206 = arith.constant 0 : i32
    %dma_start3A_207 = arith.constant 0 : i32
    %dma_start3A_208 = arith.constant 0 : i32
    %dma_start3A_209 = tpu.memref_slice %arg6[%dma_start3A_192, %dma_start3A_206, %dma_start3A_207, %dma_start3A_208] : memref<4x26x4x256xf32, #tpu.memory_space<vmem>> -> memref<1x26x4x256xf32, #tpu.memory_space<vmem>>
    %dma_start3A_210 = tpu.memref_squeeze %dma_start3A_209 : memref<1x26x4x256xf32, #tpu.memory_space<vmem>> -> memref<26x4x256xf32, #tpu.memory_space<vmem>>
    %dma_start3A_211 = tpu.memref_reshape %dma_start3A_210 : memref<26x4x256xf32, #tpu.memory_space<vmem>> -> memref<104x256xf32, #tpu.memory_space<vmem>>
    %dma_start3A_212 = arith.constant 0 : i32
    %dma_start3A_213 = arith.constant 0 : i32
    %dma_start3A_214 = tpu.memref_slice %dma_start3A_211[%dma_start3A_212, %dma_start3A_213] : memref<104x256xf32, #tpu.memory_space<vmem>> -> memref<88x256xf32, #tpu.memory_space<vmem>>
    tpu.enqueue_dma source(%dma_start3A_214 : memref<88x256xf32, #tpu.memory_space<vmem>>) target(%dma_start3A_205 : memref<88x256xf32, #tpu.memory_space<hbm>>) target_semaphore(%arg8 : memref<!tpu.dma_semaphore, #tpu.memory_space<semaphore_mem>>)
    %dma_wait3A_215 = arith.constant 0 : i32
    %dma_wait3A_216 = arith.constant 0 : i32
    %dma_wait3A_217 = arith.constant 0 : i32
    %dma_wait3A_218 = arith.constant 0 : i32
    %dma_wait3A_219 = tpu.memref_slice %arg6[%dma_wait3A_215, %dma_wait3A_216, %dma_wait3A_217, %dma_wait3A_218] : memref<4x26x4x256xf32, #tpu.memory_space<vmem>> -> memref<1x26x4x256xf32, #tpu.memory_space<vmem>>
    %dma_wait3A_220 = tpu.memref_squeeze %dma_wait3A_219 : memref<1x26x4x256xf32, #tpu.memory_space<vmem>> -> memref<26x4x256xf32, #tpu.memory_space<vmem>>
    %dma_wait3A_221 = tpu.memref_reshape %dma_wait3A_220 : memref<26x4x256xf32, #tpu.memory_space<vmem>> -> memref<104x256xf32, #tpu.memory_space<vmem>>
    %dma_wait3A_222 = arith.constant 0 : i32
    %dma_wait3A_223 = arith.constant 0 : i32
    %dma_wait3A_224 = tpu.memref_slice %dma_wait3A_221[%dma_wait3A_222, %dma_wait3A_223] : memref<104x256xf32, #tpu.memory_space<vmem>> -> memref<104x256xf32, #tpu.memory_space<vmem>>
    %dma_wait3A_225 = arith.constant 0 : i32
    %dma_wait3A_226 = tpu.memref_slice %arg4[%add3A_74, %dma_wait3A_225] : memref<12800x256xf32, #tpu.memory_space<hbm>> -> memref<104x256xf32, #tpu.memory_space<hbm>>
    %dma_wait3A_227 = arith.constant 0 : i32
    %dma_wait3A_228 = tpu.memref_slice %arg4[%add3A_74, %dma_wait3A_227] : memref<12800x256xf32, #tpu.memory_space<hbm>> -> memref<104x256xf32, #tpu.memory_space<hbm>>
    %dma_wait3A_229 = arith.constant 0 : i32
    %dma_wait3A_230 = arith.constant 0 : i32
    %dma_wait3A_231 = arith.constant 0 : i32
    %dma_wait3A_232 = tpu.memref_slice %arg6[%dma_wait3A_215, %dma_wait3A_229, %dma_wait3A_230, %dma_wait3A_231] : memref<4x26x4x256xf32, #tpu.memory_space<vmem>> -> memref<1x26x4x256xf32, #tpu.memory_space<vmem>>
    %dma_wait3A_233 = tpu.memref_squeeze %dma_wait3A_232 : memref<1x26x4x256xf32, #tpu.memory_space<vmem>> -> memref<26x4x256xf32, #tpu.memory_space<vmem>>
    %dma_wait3A_234 = tpu.memref_reshape %dma_wait3A_233 : memref<26x4x256xf32, #tpu.memory_space<vmem>> -> memref<104x256xf32, #tpu.memory_space<vmem>>
    %dma_wait3A_235 = arith.constant 0 : i32
    %dma_wait3A_236 = arith.constant 0 : i32
    %dma_wait3A_237 = tpu.memref_slice %dma_wait3A_234[%dma_wait3A_235, %dma_wait3A_236] : memref<104x256xf32, #tpu.memory_space<vmem>> -> memref<104x256xf32, #tpu.memory_space<vmem>>
    tpu.wait_dma2 semaphore(%arg8 : memref<!tpu.dma_semaphore, #tpu.memory_space<semaphore_mem>>) src(%dma_wait3A_237 : memref<104x256xf32, #tpu.memory_space<vmem>>) dst(%dma_wait3A_228 : memref<104x256xf32, #tpu.memory_space<hbm>>)
    %dma_wait3A_238 = arith.constant 1 : i32
    %dma_wait3A_239 = arith.constant 0 : i32
    %dma_wait3A_240 = arith.constant 0 : i32
    %dma_wait3A_241 = arith.constant 0 : i32
    %dma_wait3A_242 = tpu.memref_slice %arg6[%dma_wait3A_238, %dma_wait3A_239, %dma_wait3A_240, %dma_wait3A_241] : memref<4x26x4x256xf32, #tpu.memory_space<vmem>> -> memref<1x26x4x256xf32, #tpu.memory_space<vmem>>
    %dma_wait3A_243 = tpu.memref_squeeze %dma_wait3A_242 : memref<1x26x4x256xf32, #tpu.memory_space<vmem>> -> memref<26x4x256xf32, #tpu.memory_space<vmem>>
    %dma_wait3A_244 = tpu.memref_reshape %dma_wait3A_243 : memref<26x4x256xf32, #tpu.memory_space<vmem>> -> memref<104x256xf32, #tpu.memory_space<vmem>>
    %dma_wait3A_245 = arith.constant 0 : i32
    %dma_wait3A_246 = arith.constant 0 : i32
    %dma_wait3A_247 = tpu.memref_slice %dma_wait3A_244[%dma_wait3A_245, %dma_wait3A_246] : memref<104x256xf32, #tpu.memory_space<vmem>> -> memref<104x256xf32, #tpu.memory_space<vmem>>
    %dma_wait3A_248 = arith.constant 0 : i32
    %dma_wait3A_249 = tpu.memref_slice %arg4[%add3A_113, %dma_wait3A_248] : memref<12800x256xf32, #tpu.memory_space<hbm>> -> memref<104x256xf32, #tpu.memory_space<hbm>>
    %dma_wait3A_250 = arith.constant 0 : i32
    %dma_wait3A_251 = tpu.memref_slice %arg4[%add3A_113, %dma_wait3A_250] : memref<12800x256xf32, #tpu.memory_space<hbm>> -> memref<104x256xf32, #tpu.memory_space<hbm>>
    %dma_wait3A_252 = arith.constant 0 : i32
    %dma_wait3A_253 = arith.constant 0 : i32
    %dma_wait3A_254 = arith.constant 0 : i32
    %dma_wait3A_255 = tpu.memref_slice %arg6[%dma_wait3A_238, %dma_wait3A_252, %dma_wait3A_253, %dma_wait3A_254] : memref<4x26x4x256xf32, #tpu.memory_space<vmem>> -> memref<1x26x4x256xf32, #tpu.memory_space<vmem>>
    %dma_wait3A_256 = tpu.memref_squeeze %dma_wait3A_255 : memref<1x26x4x256xf32, #tpu.memory_space<vmem>> -> memref<26x4x256xf32, #tpu.memory_space<vmem>>
    %dma_wait3A_257 = tpu.memref_reshape %dma_wait3A_256 : memref<26x4x256xf32, #tpu.memory_space<vmem>> -> memref<104x256xf32, #tpu.memory_space<vmem>>
    %dma_wait3A_258 = arith.constant 0 : i32
    %dma_wait3A_259 = arith.constant 0 : i32
    %dma_wait3A_260 = tpu.memref_slice %dma_wait3A_257[%dma_wait3A_258, %dma_wait3A_259] : memref<104x256xf32, #tpu.memory_space<vmem>> -> memref<104x256xf32, #tpu.memory_space<vmem>>
    tpu.wait_dma2 semaphore(%arg8 : memref<!tpu.dma_semaphore, #tpu.memory_space<semaphore_mem>>) src(%dma_wait3A_260 : memref<104x256xf32, #tpu.memory_space<vmem>>) dst(%dma_wait3A_251 : memref<104x256xf32, #tpu.memory_space<hbm>>)
    %dma_wait3A_261 = arith.constant 2 : i32
    %dma_wait3A_262 = arith.constant 0 : i32
    %dma_wait3A_263 = arith.constant 0 : i32
    %dma_wait3A_264 = arith.constant 0 : i32
    %dma_wait3A_265 = tpu.memref_slice %arg6[%dma_wait3A_261, %dma_wait3A_262, %dma_wait3A_263, %dma_wait3A_264] : memref<4x26x4x256xf32, #tpu.memory_space<vmem>> -> memref<1x26x4x256xf32, #tpu.memory_space<vmem>>
    %dma_wait3A_266 = tpu.memref_squeeze %dma_wait3A_265 : memref<1x26x4x256xf32, #tpu.memory_space<vmem>> -> memref<26x4x256xf32, #tpu.memory_space<vmem>>
    %dma_wait3A_267 = tpu.memref_reshape %dma_wait3A_266 : memref<26x4x256xf32, #tpu.memory_space<vmem>> -> memref<104x256xf32, #tpu.memory_space<vmem>>
    %dma_wait3A_268 = arith.constant 0 : i32
    %dma_wait3A_269 = arith.constant 0 : i32
    %dma_wait3A_270 = tpu.memref_slice %dma_wait3A_267[%dma_wait3A_268, %dma_wait3A_269] : memref<104x256xf32, #tpu.memory_space<vmem>> -> memref<104x256xf32, #tpu.memory_space<vmem>>
    %dma_wait3A_271 = arith.constant 0 : i32
    %dma_wait3A_272 = tpu.memref_slice %arg4[%add3A_152, %dma_wait3A_271] : memref<12800x256xf32, #tpu.memory_space<hbm>> -> memref<104x256xf32, #tpu.memory_space<hbm>>
    %dma_wait3A_273 = arith.constant 0 : i32
    %dma_wait3A_274 = tpu.memref_slice %arg4[%add3A_152, %dma_wait3A_273] : memref<12800x256xf32, #tpu.memory_space<hbm>> -> memref<104x256xf32, #tpu.memory_space<hbm>>
    %dma_wait3A_275 = arith.constant 0 : i32
    %dma_wait3A_276 = arith.constant 0 : i32
    %dma_wait3A_277 = arith.constant 0 : i32
    %dma_wait3A_278 = tpu.memref_slice %arg6[%dma_wait3A_261, %dma_wait3A_275, %dma_wait3A_276, %dma_wait3A_277] : memref<4x26x4x256xf32, #tpu.memory_space<vmem>> -> memref<1x26x4x256xf32, #tpu.memory_space<vmem>>
    %dma_wait3A_279 = tpu.memref_squeeze %dma_wait3A_278 : memref<1x26x4x256xf32, #tpu.memory_space<vmem>> -> memref<26x4x256xf32, #tpu.memory_space<vmem>>
    %dma_wait3A_280 = tpu.memref_reshape %dma_wait3A_279 : memref<26x4x256xf32, #tpu.memory_space<vmem>> -> memref<104x256xf32, #tpu.memory_space<vmem>>
    %dma_wait3A_281 = arith.constant 0 : i32
    %dma_wait3A_282 = arith.constant 0 : i32
    %dma_wait3A_283 = tpu.memref_slice %dma_wait3A_280[%dma_wait3A_281, %dma_wait3A_282] : memref<104x256xf32, #tpu.memory_space<vmem>> -> memref<104x256xf32, #tpu.memory_space<vmem>>
    tpu.wait_dma2 semaphore(%arg8 : memref<!tpu.dma_semaphore, #tpu.memory_space<semaphore_mem>>) src(%dma_wait3A_283 : memref<104x256xf32, #tpu.memory_space<vmem>>) dst(%dma_wait3A_274 : memref<104x256xf32, #tpu.memory_space<hbm>>)
    %dma_wait3A_284 = arith.constant 3 : i32
    %dma_wait3A_285 = arith.constant 0 : i32
    %dma_wait3A_286 = arith.constant 0 : i32
    %dma_wait3A_287 = arith.constant 0 : i32
    %dma_wait3A_288 = tpu.memref_slice %arg6[%dma_wait3A_284, %dma_wait3A_285, %dma_wait3A_286, %dma_wait3A_287] : memref<4x26x4x256xf32, #tpu.memory_space<vmem>> -> memref<1x26x4x256xf32, #tpu.memory_space<vmem>>
    %dma_wait3A_289 = tpu.memref_squeeze %dma_wait3A_288 : memref<1x26x4x256xf32, #tpu.memory_space<vmem>> -> memref<26x4x256xf32, #tpu.memory_space<vmem>>
    %dma_wait3A_290 = tpu.memref_reshape %dma_wait3A_289 : memref<26x4x256xf32, #tpu.memory_space<vmem>> -> memref<104x256xf32, #tpu.memory_space<vmem>>
    %dma_wait3A_291 = arith.constant 0 : i32
    %dma_wait3A_292 = arith.constant 0 : i32
    %dma_wait3A_293 = tpu.memref_slice %dma_wait3A_290[%dma_wait3A_291, %dma_wait3A_292] : memref<104x256xf32, #tpu.memory_space<vmem>> -> memref<88x256xf32, #tpu.memory_space<vmem>>
    %dma_wait3A_294 = arith.constant 0 : i32
    %dma_wait3A_295 = tpu.memref_slice %arg4[%add3A_191, %dma_wait3A_294] : memref<12800x256xf32, #tpu.memory_space<hbm>> -> memref<88x256xf32, #tpu.memory_space<hbm>>
    %dma_wait3A_296 = arith.constant 0 : i32
    %dma_wait3A_297 = tpu.memref_slice %arg4[%add3A_191, %dma_wait3A_296] : memref<12800x256xf32, #tpu.memory_space<hbm>> -> memref<88x256xf32, #tpu.memory_space<hbm>>
    %dma_wait3A_298 = arith.constant 0 : i32
    %dma_wait3A_299 = arith.constant 0 : i32
    %dma_wait3A_300 = arith.constant 0 : i32
    %dma_wait3A_301 = tpu.memref_slice %arg6[%dma_wait3A_284, %dma_wait3A_298, %dma_wait3A_299, %dma_wait3A_300] : memref<4x26x4x256xf32, #tpu.memory_space<vmem>> -> memref<1x26x4x256xf32, #tpu.memory_space<vmem>>
    %dma_wait3A_302 = tpu.memref_squeeze %dma_wait3A_301 : memref<1x26x4x256xf32, #tpu.memory_space<vmem>> -> memref<26x4x256xf32, #tpu.memory_space<vmem>>
    %dma_wait3A_303 = tpu.memref_reshape %dma_wait3A_302 : memref<26x4x256xf32, #tpu.memory_space<vmem>> -> memref<104x256xf32, #tpu.memory_space<vmem>>
    %dma_wait3A_304 = arith.constant 0 : i32
    %dma_wait3A_305 = arith.constant 0 : i32
    %dma_wait3A_306 = tpu.memref_slice %dma_wait3A_303[%dma_wait3A_304, %dma_wait3A_305] : memref<104x256xf32, #tpu.memory_space<vmem>> -> memref<88x256xf32, #tpu.memory_space<vmem>>
    tpu.wait_dma2 semaphore(%arg8 : memref<!tpu.dma_semaphore, #tpu.memory_space<semaphore_mem>>) src(%dma_wait3A_306 : memref<88x256xf32, #tpu.memory_space<vmem>>) dst(%dma_wait3A_297 : memref<88x256xf32, #tpu.memory_space<hbm>>)
    return
  }
}

module attributes {stable_mosaic.version = 14 : i64} {
  func.func @_tc_mask_body(%arg0: i32, %arg1: memref<80x256xf32, #tpu.memory_space<vmem>>, %arg2: memref<1600x256xf32, #tpu.memory_space<vmem>>) attributes {dimension_semantics = [#tpu.dimension_semantics<arbitrary>], iteration_bounds = array<i64: 8>, scalar_prefetch = 0 : i64, scratch_operands = 0 : i64, tpu.core_type = #tpu.core_type<tc>, window_params = [{transform_indices = @transform_0, window_bounds = array<i64: 80, 256>}, {transform_indices = @transform_1, window_bounds = array<i64: 1600, 256>}]} {
    %get3A = arith.constant 0 : index
    %get3A_0 = arith.constant 0 : index
    %get3A_1 = vector.load %arg1[%get3A, %get3A_0] : memref<80x256xf32, #tpu.memory_space<vmem>>, vector<80x256xf32>
    %ne3A = arith.constant 0.000000e+00 : f32
    %ne3A_2 = vector.broadcast %ne3A : f32 to vector<80x256xf32>
    %ne3A_3 = arith.cmpf one, %get3A_1, %ne3A_2 : vector<80x256xf32>
    %convert_element_type3A = arith.extui %ne3A_3 : vector<80x256xi1> to vector<80x256xi32>
    %convert_element_type3A_4 = arith.sitofp %convert_element_type3A : vector<80x256xi32> to vector<80x256xf32>
    %convert_element_type3A_5 = arith.truncf %convert_element_type3A_4 : vector<80x256xf32> to vector<80x256xbf16>
    %iota3A = tpu.iota {dimensions = array<i32: 0>} : vector<1600x80xi32>
    %iota3A_6 = tpu.iota {dimensions = array<i32: 1>} : vector<1600x80xi32>
    %jit3A = arith.constant 20 : i32
    %div3A = vector.broadcast %jit3A : i32 to vector<1600x80xi32>
    %div3A_7 = arith.divsi %iota3A, %div3A : vector<1600x80xi32>
    %sign3A = arith.constant 0 : i32
    %sign3A_8 = vector.broadcast %sign3A : i32 to vector<1600x80xi32>
    %sign3A_9 = arith.cmpi sgt, %iota3A, %sign3A_8 : vector<1600x80xi32>
    %sign3A_10 = arith.extui %sign3A_9 : vector<1600x80xi1> to vector<1600x80xi32>
    %sign3A_11 = arith.constant 0 : i32
    %sign3A_12 = vector.broadcast %sign3A_11 : i32 to vector<1600x80xi32>
    %sign3A_13 = arith.cmpi slt, %iota3A, %sign3A_12 : vector<1600x80xi32>
    %sign3A_14 = arith.extui %sign3A_13 : vector<1600x80xi1> to vector<1600x80xi32>
    %sign3A_15 = arith.subi %sign3A_10, %sign3A_14 : vector<1600x80xi32>
    %sign3A_16 = arith.constant 0 : i32
    %sign3A_17 = arith.cmpi sgt, %jit3A, %sign3A_16 : i32
    %sign3A_18 = arith.extui %sign3A_17 : i1 to i32
    %sign3A_19 = arith.constant 0 : i32
    %sign3A_20 = arith.cmpi slt, %jit3A, %sign3A_19 : i32
    %sign3A_21 = arith.extui %sign3A_20 : i1 to i32
    %sign3A_22 = arith.subi %sign3A_18, %sign3A_21 : i32
    %ne3A_23 = vector.broadcast %sign3A_22 : i32 to vector<1600x80xi32>
    %ne3A_24 = arith.cmpi ne, %sign3A_15, %ne3A_23 : vector<1600x80xi32>
    %rem3A = vector.broadcast %jit3A : i32 to vector<1600x80xi32>
    %rem3A_25 = arith.remsi %iota3A, %rem3A : vector<1600x80xi32>
    %ne3A_26 = arith.constant 0 : i32
    %ne3A_27 = vector.broadcast %ne3A_26 : i32 to vector<1600x80xi32>
    %ne3A_28 = arith.cmpi ne, %rem3A_25, %ne3A_27 : vector<1600x80xi32>
    %and3A = arith.andi %ne3A_24, %ne3A_28 : vector<1600x80xi1>
    %sub3A = arith.constant 1 : i32
    %sub3A_29 = vector.broadcast %sub3A : i32 to vector<1600x80xi32>
    %sub3A_30 = arith.subi %div3A_7, %sub3A_29 : vector<1600x80xi32>
    %select_n3A = arith.select %and3A, %sub3A_30, %div3A_7 : vector<1600x80xi1>, vector<1600x80xi32>
    %eq3A = arith.cmpi eq, %select_n3A, %iota3A_6 : vector<1600x80xi32>
    %convert_element_type3A_31 = arith.extui %eq3A : vector<1600x80xi1> to vector<1600x80xi32>
    %convert_element_type3A_32 = arith.sitofp %convert_element_type3A_31 : vector<1600x80xi32> to vector<1600x80xf32>
    %convert_element_type3A_33 = arith.truncf %convert_element_type3A_32 : vector<1600x80xf32> to vector<1600x80xbf16>
    %dot_general3A = arith.constant dense<0.000000e+00> : vector<1600x256xf32>
    %dot_general3A_34 = tpu.matmul %convert_element_type3A_33, %convert_element_type3A_5, %dot_general3A {dimension_numbers = #tpu.dot_dimension_numbers<[1], [0], [0], [1], [0, 0, 1, 1], [], []>, transpose_lhs_hint = false} : vector<1600x80xbf16>, vector<80x256xbf16>, vector<1600x256xf32> -> vector<1600x256xf32>
    %swap3A = arith.constant 0 : index
    %swap3A_35 = arith.constant 0 : index
    %swap3A_36 = vector.load %arg2[%swap3A, %swap3A_35] : memref<1600x256xf32, #tpu.memory_space<vmem>>, vector<1600x256xf32>
    tpu.vector_store %arg2[%swap3A, %swap3A_35], %dot_general3A_34 {strides = array<i32>} : memref<1600x256xf32, #tpu.memory_space<vmem>>, vector<1600x256xf32>,
    return
  }
  func.func @transform_0(%arg0: i32) -> (i32, i32) {
    %c0_i32 = arith.constant 0 : i32
    %c0_i32_0 = arith.constant 0 : i32
    return %arg0, %c0_i32 : i32, i32
  }
  func.func @transform_1(%arg0: i32) -> (i32, i32) {
    %c0_i32 = arith.constant 0 : i32
    %c0_i32_0 = arith.constant 0 : i32
    return %arg0, %c0_i32 : i32, i32
  }
}

</mosaic_0001>

<sc_bundles>
// kernel: kernel.4.cloned.1.call-start
scs
__scs_entry_jumppad:
0x0: {  	(pc) =	sbr.rel $0x88, $3  }
0x1: {  	(tag) =	ssettag $0x0;
	lr =	simm.s32 $0x1  }
0x2: {  	[smem:$0x3F9D] =	sst lr;
	_ =	strace $0xD0000000  }
0x3: {  	_ = 	snop  }
0x4: {  	_ = 	snop  }
0x5: {  	_ = 	snop  }
0x6: {  	_ = 	snop  }
0x7: {  	_ = 	snop  }
__scs_overlays_trampoline_lowered:
0x8: {  	[smem:$0x3FAC] =	sst s0  }
0x9: {  	[smem:$0x3FAD] =	sst s1  }
0xa: {  	[smem:$0x3FAE] =	sst s2  }
0xb: {  	[smem:$0x3FAF] =	sst s3  }
0xc: {  	[smem:$0x3FB0] =	sst s4  }
0xd: {  	[smem:$0x3FB1] =	sst s5  }
0xe: {  	[smem:$0x3FB2] =	sst s6  }
0xf: {  	[smem:$0x3FB3] =	sst s7  }
0x10: {  	[smem:$0x3FB4] =	sst s8  }
0x11: {  	[smem:$0x3FB5] =	sst s9;
	s0 =	simm.s32 @!p0 $0x0  }
0x12: {  	s1 =	sld [smem:$0x3F9B];
	s0 =	simm.s32 @p0 $0x1  }
0x13: {  	[smem:$0x3FB6] =	sst s0;
	s0 =	simm.s32 @!p1 $0x0  }
0x14: {  	s2 =	sld [smem:$0x3F9A];
	s0 =	simm.s32 @p1 $0x1  }
0x15: {  	[smem:$0x3FB7] =	sst s0;
	s0 =	simm.s32 @!p2 $0x0  }
0x16: {  	s3 =	sld [smem:$0x3FDB];
	s0 =	simm.s32 @p2 $0x1  }
0x17: {  	s4 =	simm.s32 $0x1BF5;
	[smem:$0x3FB9] =	sst s0  }
0x18: {  	s0 =	sld [smem:$0x3F9C];
	_ =	swait.ge [sflag:s4], $0x0  }
0x19: {  	s7 =	sld [smem:$0x3F9D]  }
0x1a: {  	s8 =	sadd.s32 $0xFFFFE003, lr  }
0x1b: {  	s9 =	sadd.s32 $0xFFFFFEF7, lr;
	s5 =	simm.s32 $0xFFFFFFFF;
	p2 =	slt.u32 s8, $0xFFFFF086  }
0x1c: {  	p1 =	slt.u32 s9, $0xF7A;
	s5 =	simm.s32 @!p2 $0x0  }
0x1d: {  	s5 =	simm.s32 @p1 $0x1;
	p0 =	seq.s32 s7, s2  }
0x1e: {  	s7 =	smul.u32 @!p0 $0xF7A, s2;
	p2 =	seq.s32 @!p0 s5, $0x0  }
0x1f: {  	s9 =	smul.u32 $0xF7A, s1;
	s8 =	simm.s32 @!p0 $0x1BF5;
	p2 =	por !p2, p0  }
0x20: {  	[sflag:s8] =	ssyncset.s32 @!p0 $0xFFFFF086;
	s6 =	sadd.s32 @!p0 s3, s7;
	s7 =	simm.s32 @!p0 $0x108  }
0x21: {  	s3 =	sadd.s32 s3, s9;
	s6 =	sadd.s32 @!p0 $0x88, s6;
	s7 =	simm.s32 @p2 $0x1082  }
0x22: {  	[simem:s7], [sflag:s8] =	dma.local @!p0 [hbm:s6], $0xF7A  }
0x23: {  	s9 =	sor.u32 $0xD0000000, s2;
	s6 =	simm.s32 $0x108;
	_ =	swait.ge @!p0 [sflag:s8], $0x0  }
0x24: {  	s3 =	sadd.s32 $0x88, s3;
	s6 =	simm.s32 @!p1 $0x1082;
	[sflag:s4] =	ssyncset.s32 $0xFFFFF086  }
0x25: {  	[simem:s6], [sflag:s4] =	dma.local [hbm:s3], $0xF7A  }
0x26: {  	[smem:$0x3F9D] =	sst s1;
	(tag) =	ssettag s2;
	_ =	strace s9  }
0x27: {  	s1 =	sld [smem:$0x3FAD]  }
0x28: {  	s2 =	sld [smem:$0x3FAE]  }
0x29: {  	s4 =	sld [smem:$0x3FB0]  }
0x2a: {  	p0 =	seq.s32 s5, $0x0;
	s5 =	sld [smem:$0x3FB1]  }
0x2b: {  	s6 =	sld [smem:$0x3FB2]  }
0x2c: {  	s7 =	sld [smem:$0x3FB3]  }
0x2d: {  	s3 =	simm.s32 $0x108;
	s8 =	sld [smem:$0x3FB4]  }
0x2e: {  	s3 =	simm.s32 @!p0 $0x1082;
	s9 =	sld [smem:$0x3FB5]  }
0x2f: {  	lr =	sadd.s32 s0, s3;
	s0 =	sld [smem:$0x3FAC]  }
0x30: {  	s3 =	sld [smem:$0x3FAF]  }
0x31: {  	[smem:$0x3FB8] =	sst s10  }
0x32: {  	s10 =	sld [smem:$0x3FB6];
	_ =	sdelay $0x3  }
0x33: {  	p0 =	seq.s32 s10, $0x1;
	s10 =	sld [smem:$0x3FB8];
	_ =	sdelay $0x3  }
0x34: {  	[smem:$0x3FB8] =	sst s10  }
0x35: {  	s10 =	sld [smem:$0x3FB7];
	_ =	sdelay $0x3  }
0x36: {  	p1 =	seq.s32 s10, $0x1;
	s10 =	sld [smem:$0x3FB8];
	_ =	sdelay $0x3  }
0x37: {  	[smem:$0x3FB8] =	sst s10  }
0x38: {  	s10 =	sld [smem:$0x3FB9]  }
0x39: {  	_ = 	snop;
	(pc) =	sbr.ind lr, $3  }
0x3a: {  	_ = 	snop  }
0x3b: {  	_ = 	snop  }
0x3c: {  	p2 =	seq.s32 s10, $0x1;
	s10 =	sld [smem:$0x3FB8]  }
0x3d: {  	_ =	shalt  }
0x3e: {  	_ =	shalt  }
0x3f: {  	_ =	shalt  }
0x40: {  	_ =	shalt  }
0x41: {  	_ =	shalt  }
0x42: {  	_ =	shalt  }
0x43: {  	_ =	shalt  }
0x44: {  	_ =	shalt  }
0x45: {  	_ =	shalt  }
0x46: {  	_ =	shalt  }
0x47: {  	_ =	shalt  }
0x48: {  	_ =	shalt  }
0x49: {  	_ =	shalt  }
0x4a: {  	_ =	shalt  }
0x4b: {  	_ =	shalt  }
0x4c: {  	_ =	shalt  }
0x4d: {  	_ =	shalt  }
0x4e: {  	_ =	shalt  }
0x4f: {  	_ =	shalt  }
0x50: {  	_ =	shalt  }
0x51: {  	_ =	shalt  }
0x52: {  	_ =	shalt  }
0x53: {  	_ =	shalt  }
0x54: {  	_ =	shalt  }
0x55: {  	_ =	shalt  }
0x56: {  	_ =	shalt  }
0x57: {  	_ =	shalt  }
0x58: {  	_ =	shalt  }
0x59: {  	_ =	shalt  }
0x5a: {  	_ =	shalt  }
0x5b: {  	_ =	shalt  }
0x5c: {  	_ =	shalt  }
0x5d: {  	_ =	shalt  }
0x5e: {  	_ =	shalt  }
0x5f: {  	_ =	shalt  }
0x60: {  	_ =	shalt  }
0x61: {  	_ =	shalt  }
0x62: {  	_ =	shalt  }
0x63: {  	_ =	shalt  }
0x64: {  	_ =	shalt  }
0x65: {  	_ =	shalt  }
0x66: {  	_ =	shalt  }
0x67: {  	_ =	shalt  }
0x68: {  	_ =	shalt  }
0x69: {  	_ =	shalt  }
0x6a: {  	_ =	shalt  }
0x6b: {  	_ =	shalt  }
0x6c: {  	_ =	shalt  }
0x6d: {  	_ =	shalt  }
0x6e: {  	_ =	shalt  }
0x6f: {  	_ =	shalt  }
0x70: {  	_ =	shalt  }
0x71: {  	_ =	shalt  }
0x72: {  	_ =	shalt  }
0x73: {  	_ =	shalt  }
0x74: {  	_ =	shalt  }
0x75: {  	_ =	shalt  }
0x76: {  	_ =	shalt  }
0x77: {  	_ =	shalt  }
0x78: {  	_ =	shalt  }
0x79: {  	_ =	shalt  }
0x7a: {  	_ =	shalt  }
0x7b: {  	_ =	shalt  }
0x7c: {  	_ =	shalt  }
0x7d: {  	_ =	shalt  }
0x7e: {  	_ =	shalt  }
0x7f: {  	_ =	shalt  }
0x80: {  	_ =	shalt  }
0x81: {  	_ =	shalt  }
0x82: {  	_ =	shalt  }
0x83: {  	_ =	shalt  }
0x84: {  	_ =	shalt  }
0x85: {  	_ =	shalt  }
0x86: {  	_ =	shalt  }
0x87: {  	_ =	shalt  }
.Lfunc_end0:
.L_simem_size_0:
called_computation_lowered:
.L_overlay_start_0:
0x88: {  	s2 =	sld [smem:$0x3FD9]  }
0x89: {  	s3 =	sld [smem:$0x3FFE];
	_ =	sdelay $0x1  }
0x8a: {  	s1 =	srdreg.scid  }
0x8b: {  	s0 =	sand.u32 $0x1, s1  }
0x8c: {  	s14 =	sshll.u32 s0, $0xA;
	s2 =	sadd.s32 s3, s2  }
0x8d: {  	s2 =	sadd.s32 s2, s14  }
0x8e: {  	[smem:$0x3FC4] =	sst s2  }
0x8f: {  	_ = 	snop  }
0x90: {  	s2 =	sld [smem:$0x3FD0];
	_ =	sdelay $0x2  }
0x91: {  	s4 =	simm.s32 $0xA;
	s5 =	simm.s32 $0x10;
	s15 =	sld [smem:$0x3FC9]  }
0x92: {  	[smem:s5], [sflag:s4] =	dma.local [hbm:s2], $0x1  }
0x93: {  	_ =	swait.eq [sflag:s4], $0x1  }
0x94: {  	[sflag:s4] =	ssyncset.done $0x0  }
0x95: {  	[sflag:s4] =	ssyncadd.s32 $0xFFFFFFFF  }
0x96: {  	s16 =	sld [smem:$0x10];
	(tm) =	ssettm $0x1  }
0x97: {  	s17 =	sld [smem:$0x3FFB];
	_ =	sdelay $0x3  }
0x98: {  	_ =	strace s17  }
0x99: {  	s4 =	sld [smem:$0x3FFC];
	_ =	sdelay $0x3  }
0x9a: {  	_ =	strace s4  }
0x9b: {  	s4 =	sld [smem:$0x3FFD];
	_ =	sdelay $0x3  }
0x9c: {  	_ =	strace s4  }
0x9d: {  	_ =	strace $0x8FFFFFFF  }
0x9e: {  	s18 =	sld [smem:$0x3FDB];
	_ =	sdelay $0x1  }
0x9f: {  	s19 =	simm.s32 $_scs_section_size  }
0xa0: {  	s6 =	simm.s32 $_size__tile_overlayer_lowered;
	s7 =	simm.s32 $_tile_overlayer_lowered  }
0xa1: {  	s22 =	simm.s32 $0x1BFF;
	s21 =	sshll.u32 s7, $0x1;
	s4 =	sadd.s32 s19, s18  }
0xa2: {  	s8 =	simm.s32 $0x0;
	s20 =	sshll.u32 s6, $0x1;
	s6 =	sadd.s32 s21, s4  }
0xa3: {  	[timem:s8], [sflag:s22] =	dma.local [hbm:s6], s20  }
0xa4: {  	_ =	swait.ge [sflag:s22], s20  }
0xa5: {  	s5 =	ssub.s32 $0x0, s20;
	[sflag:s22] =	ssyncset.done $0x0  }
0xa6: {  	[sflag:s22] =	ssyncadd.s32 s5;
	_ =	sdelay $0x1  }
0xa7: {  	s23 =	simm.s32 $0x1B8B  }
0xa8: {  	_ =	swait.ge [sflag:s23], $0x1  }
0xa9: {  	[sflag:s23] =	ssyncset.done $0x0  }
0xaa: {  	s25 =	simm.s32 $0x1B8E;
	s24 =	sld [smem:$0x3FFE];
	[sflag:s23] =	ssyncadd.s32 $0xFFFFFFFF  }
0xab: {  	s26 =	simm.s32 $execute0_lowered;
	[smem:$0x3FD2] =	sst s25  }
0xac: {  	s6 =	sshll.u32 s26, $0x1;
	_ =	strace $0x80000046;
	[dreg:$0x1] =	wrdreg $0xFFFFFFFF  }
0xad: {  	s28 =	simm.s32 $_size_execute0_lowered;
	s4 =	sadd.s32 s4, s6;
	[dreg:$0x0] =	wrdreg $0x0  }
0xae: {  	s6 =	sshll.u32 s28, $0x1;
	[dreg:$0x2] =	wrdreg s4  }
0xaf: {  	[dreg:$0x3] =	wrdreg s6  }
0xb0: {  	[dreg:$0x4] =	wrdreg $0xC0  }
0xb1: {  	_ =	task [dreg:s8], $0x5FFFF  }
0xb2: {  	[dreg:$0x1] =	wrdreg $0xFFFFFFFF  }
0xb3: {  	[dreg:$0x0] =	wrdreg $0x60  }
0xb4: {  	[dreg:$0x2] =	wrdreg s15  }
0xb5: {  	[dreg:$0x3] =	wrdreg s24  }
0xb6: {  	[dreg:$0x4] =	wrdreg s16  }
0xb7: {  	[dreg:$0x5] =	wrdreg $0x9  }
0xb8: {  	_ =	task.clear_ibuf [dreg:s8], $0x6FFFF;
	_ =	strace $0x90000046  }
0xb9: {  	s29 =	simm.s32 $0x9;
	_ =	strace $0x80000048  }
0xba: {  	_ =	swait.ge [sflag:s29], $0x1  }
0xbb: {  	[sflag:s29] =	ssyncadd.s32 $0xFFFFFFFF  }
0xbc: {  	_ =	strace $0x90000048  }
0xbd: {  	_ =	sfence  }
0xbe: {  	s30 =	sld [smem:$0x0];
	_ =	sdelay $0x2  }
0xbf: {  	s31 =	sshll.u32 s1, $0xD;
	s1 =	sshrl.u32 s1, $0x2  }
0xc0: {  	s3 =	sand.u32 $0x4000, s31;
	s1 =	sadd.s32 s1, s30  }
0xc1: {  	s0 =	sor.u32 s3, s0;
	s1 =	sshll.u32 s1, $0x11  }
0xc2: {  	s0 =	sor.u32 s1, s0  }
0xc3: {  	s0 =	sadd.s32 $0x8F2B, s0  }
0xc4: {  	[sflag:s0] =	ssyncadd.remote.s32 $0x1  }
0xc5: {  	_ =	sfence.sel $0xFFFF  }
0xc6: {  	[dreg:$0x0] =	wrdreg $0xFFFFFFFF;
	(pc) =	sbr.abs _section_cstart, $3  }
0xc7: {  	[dreg:$0x1] =	wrdreg $0xFFFFFFFF  }
0xc8: {  	_ =	task.clear_ibuf [dreg:s8], $0x2FFFF;
	_ =	strace $0x9FFFFFFF  }
0xc9: {  	(tm) =	ssettm $0x7FFFFFFF  }
tec
execute0_lowered:
.L_overlay_start_1:
0x0: {  	(tag) =	ssettag $0x1  }
0x1: {  	s1 =	rddreg [dreg:$0x0]  }
0x2: {  	s4 =	rddreg [dreg:$0x1]  }
0x3: {  	s2 =	srdreg.scid;
	s0 =	stileid.u32  }
0x4: {  	s5 =	rddreg [dreg:$0x2];
	s3 =	simm.s32 $0x0;
	s11 =	simm.s32 $0x4080  }
0x5: {  	s12 =	simm.s32 $0x6880;
	s13 =	simm.s32 $0xA880;
	s14 =	simm.s32 $0xD080  }
0x6: {  	s15 =	simm.s32 $0x11080;
	s16 =	simm.s32 $0x13880;
	s17 =	simm.s32 $0x17880  }
0x7: {  	s18 =	simm.s32 $0x1;
	s19 =	simm.s32 $0x200;
	s20 =	simm.s32 $0x400  }
0x8: {  	s21 =	simm.s32 $0x2;
	s6 =	sand.u32 $0x1, s2;
	s7 =	sshll.u32 s0, $0x1  }
0x9: {  	s22 =	simm.s32 $0x0;
	s2 =	rddreg [dreg:$0x3];
	s7 =	sor.u32 s6, s7  }
0xa: {  	[smem:$0x7FF] =	sst s3;
	s6 =	ssub.s32 $0x2, s6;
	s9 =	smul.u32 $0x19000, s7  }
0xb: {  	_ =	strace $0x80000047;
	s8 =	sshll.u32 s7, $0x4;
	s30 =	sshrl.u32 s6, $0x1  }
0xc: {  	s7 =	smul.u32 $0x3200, s7;
	s4 =	sadd.s32 s8, s4;
	s9 =	sshrl.u32 s9, $0x3  }
0xd: {  	s10 =	ssub.s32 s6, s30;
	s4 =	sadd.s32 $0x600, s4;
	s31 =	sadd.s32 s5, s9  }
0xe: {  	v0 =	vlaneseq.u32;
	s5 =	sadd.s32 s5, s7;
	s9 =	smax.u32 s10, $0x1;
	s10 =	simm.s32 $0x3  }
0xf: {  	vm0 =	vmmov $0xffff;
	vm1 =	vmmov $0x3ff;
	vm2 =	vmmov $0x3f;
	s6 =	sadd.s32 $0xD00, s31;
	s7 =	sadd.s32 $0x1A00, s31;
	s8 =	sadd.s32 $0x2700, s31  }
.LBB2_1:
0x10: {  	[tilespmem:s3], [sflag:$0x3] =	stream.linear.gather [hbm4b:s4+s3], $0x80, $0x38;
	[tilespmem:$0x1A080] =	vst v63  }
0x11: {  	_ =	swait.ge [sflag:s10], $0x80  }
0x12: {  	[sflag:s10] =	ssyncset.done $0x0  }
0x13: {  	[sflag:s10] =	ssyncadd.s32 $0xFFFFFF80  }
0x14: {  	v1 =	vld [tilespmem:$0x0];
	_ =	sdelay $0x4  }
0x15: {  	v1 =	vshll.u32 v1, $0xA  }
0x16: {  	v1 =	vperm.xlane v1, v0;
	_ =	sdelay $0x4  }
0x17: {  	s23 =	simm.s32 $0x80  }
0x18: {  	[tilespmem:s23], [sflag:$0x1] =	stream.indirect_vreg.gather [hbm4b:s1+s3], $0x400, v1, vm0, $0x38;
	[tilespmem:$0x1A080] =	vst v63  }
0x19: {  	v1 =	vld.msk [tilespmem:$0x10], $0x3ff;
	_ =	sdelay $0x4  }
0x1a: {  	v1 =	vshll.u32 v1, $0xA  }
0x1b: {  	v1 =	vperm.xlane v1, v0;
	_ =	sdelay $0x5  }
0x1c: {  	[tilespmem:s11], [sflag:$0x1] =	stream.indirect_vreg.gather [hbm4b:s1+s3], $0x400, v1, vm1, $0x38;
	[tilespmem:$0x1A080] =	vst v63  }
0x1d: {  	v1 =	vld [tilespmem:$0x1A];
	_ =	sdelay $0x4  }
0x1e: {  	v1 =	vshll.u32 v1, $0xA  }
0x1f: {  	v1 =	vperm.xlane v1, v0;
	_ =	sdelay $0x5  }
0x20: {  	[tilespmem:s12], [sflag:$0x1] =	stream.indirect_vreg.gather [hbm4b:s1+s3], $0x400, v1, vm0, $0x38;
	[tilespmem:$0x1A080] =	vst v63  }
0x21: {  	v1 =	vld.msk [tilespmem:$0x2A], $0x3ff;
	_ =	sdelay $0x4  }
0x22: {  	v1 =	vshll.u32 v1, $0xA  }
0x23: {  	v1 =	vperm.xlane v1, v0;
	_ =	sdelay $0x5  }
0x24: {  	[tilespmem:s13], [sflag:$0x1] =	stream.indirect_vreg.gather [hbm4b:s1+s3], $0x400, v1, vm1, $0x38;
	[tilespmem:$0x1A080] =	vst v63  }
0x25: {  	v1 =	vld [tilespmem:$0x34];
	_ =	sdelay $0x4  }
0x26: {  	v1 =	vshll.u32 v1, $0xA  }
0x27: {  	v1 =	vperm.xlane v1, v0;
	_ =	sdelay $0x5  }
0x28: {  	[tilespmem:s14], [sflag:$0x1] =	stream.indirect_vreg.gather [hbm4b:s1+s3], $0x400, v1, vm0, $0x38;
	[tilespmem:$0x1A080] =	vst v63  }
0x29: {  	v1 =	vld.msk [tilespmem:$0x44], $0x3ff;
	_ =	sdelay $0x4  }
0x2a: {  	v1 =	vshll.u32 v1, $0xA  }
0x2b: {  	v1 =	vperm.xlane v1, v0;
	_ =	sdelay $0x5  }
0x2c: {  	[tilespmem:s15], [sflag:$0x1] =	stream.indirect_vreg.gather [hbm4b:s1+s3], $0x400, v1, vm1, $0x38;
	[tilespmem:$0x1A080] =	vst v63  }
0x2d: {  	v1 =	vld [tilespmem:$0x4E];
	_ =	sdelay $0x4  }
0x2e: {  	v1 =	vshll.u32 v1, $0xA  }
0x2f: {  	v1 =	vperm.xlane v1, v0;
	_ =	sdelay $0x5  }
0x30: {  	[tilespmem:s16], [sflag:$0x1] =	stream.indirect_vreg.gather [hbm4b:s1+s3], $0x400, v1, vm0, $0x38;
	[tilespmem:$0x1A080] =	vst v63  }
0x31: {  	v1 =	vld.msk [tilespmem:$0x5E], $0x3f;
	_ =	sdelay $0x4  }
0x32: {  	v1 =	vshll.u32 v1, $0xA  }
0x33: {  	v1 =	vperm.xlane v1, v0;
	_ =	sdelay $0x5  }
0x34: {  	[tilespmem:s17], [sflag:$0x1] =	stream.indirect_vreg.gather [hbm4b:s1+s3], $0x400, v1, vm2, $0x38;
	[tilespmem:$0x1A080] =	vst v63  }
0x35: {  	_ =	swait.ge [sflag:s18], $0x6800  }
0x36: {  	[sflag:s18] =	ssyncset.done $0x0  }
0x37: {  	s24 =	sadd.s32 $0x0, s5;
	s25 =	simm.s32 $0x480;
	[sflag:s18] =	ssyncadd.s32 $0xFFFF9800  }
0x38: {  	[hbm4b:s24+s19] =	stream.strided.scatter [tilespmem:s23], [sflag:$0x2], $0x400, s20, s19, $0x38;
	[tilespmem:$0x1A080] =	vst v63  }
0x39: {  	s26 =	sadd.s32 $0x40, s24;
	s23 =	simm.s32 $0x100;
	s24 =	simm.s32 $0x880  }
.LBB2_2:
0x3a: {  	[hbm4b:s26+s19] =	stream.strided.scatter [tilespmem:s25], [sflag:$0x2], $0x400, s20, s19, $0x38;
	[tilespmem:$0x1A080] =	vst v63  }
0x3b: {  	s25 =	smov.u32 s23;
	p0 =	sne.s32 s23, $0xC00  }
.Ltmp0:
0x3c: {  	s23 =	sadd.s32 $0x100, s23;
	(pc) =	sbr.rel @p0 .LBB2_2-.Ltmp0, $4  }
0x3d: {  	_ = 	snop  }
0x3e: {  	s26 =	sadd.s32 s25, s5  }
0x3f: {  	[hbm4b:s26+s19] =	stream.strided.scatter [tilespmem:s24], [sflag:$0x2], $0x400, s20, s19, $0x38;
	[tilespmem:$0x1A080] =	vst v63  }
0x40: {  	s25 =	sadd.s32 $0x400, s24;
	s26 =	sadd.s32 $0x40, s26;
	s24 =	sadd.s32 $0x800, s24  }
0x41: {  	[hbm4b:s26+s19] =	stream.strided.scatter [tilespmem:s25], [sflag:$0x2], $0x400, s20, s19, $0x38;
	[tilespmem:$0x1A080] =	vst v63  }
0x42: {  	_ =	swait.ge [sflag:s18], $0x6800  }
0x43: {  	s23 =	simm.s32 $0x6880;
	[sflag:s18] =	ssyncset.done $0x0  }
0x44: {  	s24 =	sadd.s32 $0x0, s6;
	s25 =	simm.s32 $0x6C80;
	[sflag:s18] =	ssyncadd.s32 $0xFFFF9800  }
0x45: {  	[hbm4b:s24+s19] =	stream.strided.scatter [tilespmem:s23], [sflag:$0x2], $0x400, s20, s19, $0x38;
	[tilespmem:$0x1A080] =	vst v63  }
0x46: {  	s26 =	sadd.s32 $0x40, s24;
	s23 =	simm.s32 $0x100;
	s24 =	simm.s32 $0x7080  }
.LBB2_4:
0x47: {  	[hbm4b:s26+s19] =	stream.strided.scatter [tilespmem:s25], [sflag:$0x2], $0x400, s20, s19, $0x38;
	[tilespmem:$0x1A080] =	vst v63  }
0x48: {  	s25 =	smov.u32 s23;
	p0 =	sne.s32 s23, $0xC00  }
.Ltmp1:
0x49: {  	s23 =	sadd.s32 $0x100, s23;
	(pc) =	sbr.rel @p0 .LBB2_4-.Ltmp1, $4  }
0x4a: {  	_ = 	snop  }
0x4b: {  	s26 =	sadd.s32 s25, s6  }
0x4c: {  	[hbm4b:s26+s19] =	stream.strided.scatter [tilespmem:s24], [sflag:$0x2], $0x400, s20, s19, $0x38;
	[tilespmem:$0x1A080] =	vst v63  }
0x4d: {  	s25 =	sadd.s32 $0x400, s24;
	s26 =	sadd.s32 $0x40, s26;
	s24 =	sadd.s32 $0x800, s24  }
0x4e: {  	[hbm4b:s26+s19] =	stream.strided.scatter [tilespmem:s25], [sflag:$0x2], $0x400, s20, s19, $0x38;
	[tilespmem:$0x1A080] =	vst v63  }
0x4f: {  	_ =	swait.ge [sflag:s18], $0x6800  }
0x50: {  	s23 =	simm.s32 $0xD080;
	[sflag:s18] =	ssyncset.done $0x0  }
0x51: {  	s24 =	sadd.s32 $0x0, s7;
	s25 =	simm.s32 $0xD480;
	[sflag:s18] =	ssyncadd.s32 $0xFFFF9800  }
0x52: {  	[hbm4b:s24+s19] =	stream.strided.scatter [tilespmem:s23], [sflag:$0x2], $0x400, s20, s19, $0x38;
	[tilespmem:$0x1A080] =	vst v63  }
0x53: {  	s26 =	sadd.s32 $0x40, s24;
	s23 =	simm.s32 $0x100;
	s24 =	simm.s32 $0xD880  }
.LBB2_6:
0x54: {  	[hbm4b:s26+s19] =	stream.strided.scatter [tilespmem:s25], [sflag:$0x2], $0x400, s20, s19, $0x38;
	[tilespmem:$0x1A080] =	vst v63  }
0x55: {  	s25 =	smov.u32 s23;
	p0 =	sne.s32 s23, $0xC00  }
.Ltmp2:
0x56: {  	s23 =	sadd.s32 $0x100, s23;
	(pc) =	sbr.rel @p0 .LBB2_6-.Ltmp2, $4  }
0x57: {  	_ = 	snop  }
0x58: {  	s26 =	sadd.s32 s25, s7  }
0x59: {  	[hbm4b:s26+s19] =	stream.strided.scatter [tilespmem:s24], [sflag:$0x2], $0x400, s20, s19, $0x38;
	[tilespmem:$0x1A080] =	vst v63  }
0x5a: {  	s25 =	sadd.s32 $0x400, s24;
	s26 =	sadd.s32 $0x40, s26;
	s24 =	sadd.s32 $0x800, s24  }
0x5b: {  	[hbm4b:s26+s19] =	stream.strided.scatter [tilespmem:s25], [sflag:$0x2], $0x400, s20, s19, $0x38;
	[tilespmem:$0x1A080] =	vst v63  }
0x5c: {  	_ =	swait.ge [sflag:s18], $0x5800  }
0x5d: {  	s23 =	simm.s32 $0x13880;
	[sflag:s18] =	ssyncset.done $0x0  }
0x5e: {  	s24 =	sadd.s32 $0x0, s8;
	s25 =	simm.s32 $0x13C80;
	[sflag:s18] =	ssyncadd.s32 $0xFFFFA800  }
0x5f: {  	[hbm4b:s24+s19] =	stream.strided.scatter [tilespmem:s23], [sflag:$0x2], $0x400, s20, s19, $0x38;
	[tilespmem:$0x1A080] =	vst v63  }
0x60: {  	s26 =	sadd.s32 $0x40, s24;
	s23 =	simm.s32 $0x100;
	s24 =	simm.s32 $0x14080  }
.LBB2_8:
0x61: {  	[hbm4b:s26+s19] =	stream.strided.scatter [tilespmem:s25], [sflag:$0x2], $0x400, s20, s19, $0x38;
	[tilespmem:$0x1A080] =	vst v63  }
0x62: {  	s25 =	smov.u32 s23;
	p0 =	sne.s32 s23, $0xA00  }
.Ltmp3:
0x63: {  	s23 =	sadd.s32 $0x100, s23;
	(pc) =	sbr.rel @p0 .LBB2_8-.Ltmp3, $4  }
0x64: {  	_ = 	snop  }
0x65: {  	s26 =	sadd.s32 s25, s8  }
0x66: {  	[hbm4b:s26+s19] =	stream.strided.scatter [tilespmem:s24], [sflag:$0x2], $0x400, s20, s19, $0x38;
	[tilespmem:$0x1A080] =	vst v63  }
0x67: {  	s25 =	sadd.s32 $0x400, s24;
	s26 =	sadd.s32 $0x40, s26;
	s24 =	sadd.s32 $0x800, s24  }
0x68: {  	[hbm4b:s26+s19] =	stream.strided.scatter [tilespmem:s25], [sflag:$0x2], $0x400, s20, s19, $0x38;
	[tilespmem:$0x1A080] =	vst v63  }
0x69: {  	_ =	swait.ge [sflag:s21], $0x6800  }
0x6a: {  	[sflag:s21] =	ssyncset.done $0x0  }
0x6b: {  	[sflag:s21] =	ssyncadd.s32 $0xFFFF9800  }
0x6c: {  	_ =	swait.ge [sflag:s21], $0x6800  }
0x6d: {  	[sflag:s21] =	ssyncset.done $0x0  }
0x6e: {  	s22 =	sadd.s32 $0x1, s22;
	[sflag:s21] =	ssyncadd.s32 $0xFFFF9800  }
0x6f: {  	p0 =	sne.s32 s22, s9;
	_ =	swait.ge [sflag:s21], $0x6800  }
.Ltmp4:
0x70: {  	[sflag:s21] =	ssyncset.done $0x0;
	(pc) =	sbr.rel @p0 .LBB2_1-.Ltmp4, $4  }
0x71: {  	[sflag:s21] =	ssyncadd.s32 $0xFFFF9800  }
0x72: {  	_ =	swait.ge [sflag:s21], $0x5800  }
0x73: {  	[sflag:s21] =	ssyncset.done $0x0  }
0x74: {  	[sflag:s21] =	ssyncadd.s32 $0xFFFFA800  }
0x75: {  	_ =	sfence.sel $0x180000  }
0x76: {  	[bflag:$0x0] =	sbarrier.arrive $0xFFFF  }
0x77: {  	p0 =	sne.s32 s0, $0x0;
	_ =	strace $0x90000047  }
0x78: {  	s0 =	sadd.s32 @!p0 $0x100000, s2;
	[bflag:$0x2] =	sbarrier.arrive $0xFFFF  }
0x79: {  	[sflag:s0] =	ssyncadd.tile.s32 @!p0 $0x1;
	_ =	shalt  }
.Lfunc_end2:
_tile_overlayer_lowered:
.L_overlay_start_2:
0x7a: {  	(tag) =	ssettag $0x2  }
0x7b: {  	s0 =	rddreg [dreg:$0x0];
	s2 =	stileid.u32  }
0x7c: {  	s1 =	rddreg [dreg:$0x1];
	p0 =	sne.s32 s2, $0x0  }
0x7d: {  	s3 =	rddreg [dreg:$0x2];
	[bflag:$0x3] =	sbarrier.arrive $0xFFFF;
	s2 =	simm.s32 @!p0 $0x1C03  }
0x7e: {  	[timem:s3], [sflag:s2] =	dma.local @!p0 [hbm:s0], s1  }
0x7f: {  	s0 =	simm.s32 @!p0 $0x3  }
0x80: {  	_ =	swait.ge @!p0 [sflag:s0], s1  }
0x81: {  	s1 =	ssub.s32 @!p0 $0x0, s1;
	[sflag:s0] =	ssyncset.done @!p0 $0x0  }
0x82: {  	[sflag:s0] =	ssyncadd.s32 @!p0 s1  }
0x83: {  	[bflag:$0x3] =	sbarrier.arrive $0xFFFF  }
0x84: {  	_ =	shalt  }

</sc_bundles>
